<compile_context>
chip_gen: v7x
topology: tpu7x:2x2x1
jax: 0.10.2.dev20260603
libtpu: 0.0.44.dev20260713+nightly
codegen_flags: <defaults>
</compile_context>

<pallas_src>
import functools

import jax
import jax.numpy as jnp
from jax import lax
from jax.experimental import pallas as pl
from jax.experimental.pallas import tpu as pltpu
from jax.experimental.pallas import tpu_sc as plsc

_NUM_FIELDS = 26
_VOCAB = 100000
_EMBED_DIM = 32
_BATCH = 16384
_NUM_NUMERICAL = 13

_PACK = 128 // _EMBED_DIM
_NC = 2
_NS = 16
_NW = _NC * _NS
_TOTAL = _BATCH * _NUM_FIELDS
_PER_W = _TOTAL // _NW
_CHUNK = 128
_N_CHUNKS = _PER_W // _CHUNK

_mesh = plsc.VectorSubcoreMesh(core_axis_name="c", subcore_axis_name="s")


@functools.partial(
    pl.kernel,
    out_type=jax.ShapeDtypeStruct((_TOTAL, 128), jnp.float32),
    mesh=_mesh,
    scratch_types=[
        pltpu.VMEM((_PER_W,), jnp.int32),
        pltpu.VMEM((_CHUNK, 128), jnp.float32),
        pltpu.VMEM((_CHUNK, 128), jnp.float32),
        pltpu.SemaphoreType.DMA,
        pltpu.SemaphoreType.DMA,
        pltpu.SemaphoreType.DMA,
        pltpu.SemaphoreType.DMA,
    ],
)
def _gather_kernel(
    idx_hbm, tab_hbm, out_hbm, idx_v, rows0, rows1, g0, g1, w0, w1
):
    wid = lax.axis_index("s") * _NC + lax.axis_index("c")
    base = pl.multiple_of(wid * _PER_W, _CHUNK)
    pltpu.sync_copy(idx_hbm.at[pl.ds(base, _PER_W)], idx_v)

    @pl.loop(0, _N_CHUNKS // 2)
    def _pair(p):
        off0 = pl.multiple_of(2 * p * _CHUNK, _CHUNK)
        off1 = pl.multiple_of(off0 + _CHUNK, _CHUNK)
        d0 = pltpu.async_copy(
            tab_hbm.at[idx_v.at[pl.ds(off0, _CHUNK)]], rows0, g0
        )
        d1 = pltpu.async_copy(
            tab_hbm.at[idx_v.at[pl.ds(off1, _CHUNK)]], rows1, g1
        )
        d0.wait()
        c0 = pltpu.async_copy(rows0, out_hbm.at[pl.ds(base + off0, _CHUNK)], w0)
        d1.wait()
        c1 = pltpu.async_copy(rows1, out_hbm.at[pl.ds(base + off1, _CHUNK)], w1)
        c0.wait()
        c1.wait()


_XB = 1024


def _extract_body(off_ref, wide_ref, out_ref):
    off = off_ref[:, :]
    acc = jnp.zeros((_XB, _EMBED_DIM), jnp.float32)
    for j in range(_PACK):
        m = (off == j).astype(jnp.float32)
        acc = acc + wide_ref[:, 32 * j:32 * (j + 1)] * m
    out_ref[:, :] = acc


def _extract(wide, off):
    grid = _TOTAL // _XB
    return pl.pallas_call(
        _extract_body,
        grid=(grid,),
        in_specs=[
            pl.BlockSpec((_XB, 1), lambda i: (i, 0)),
            pl.BlockSpec((_XB, 128), lambda i: (i, 0)),
        ],
        out_specs=pl.BlockSpec((_XB, _EMBED_DIM), lambda i: (i, 0)),
        out_shape=jax.ShapeDtypeStruct((_TOTAL, _EMBED_DIM), jnp.float32),
    )(off, wide)


def kernel(numerical, cat_indices, tables):
    flat = (
        cat_indices.astype(jnp.int32)
        + jnp.arange(_NUM_FIELDS, dtype=jnp.int32) * _VOCAB
    ).reshape(-1)
    tab = tables.reshape(_NUM_FIELDS * _VOCAB // _PACK, 128)
    wide = _gather_kernel(flat // _PACK, tab)
    rows = _extract(wide, (flat % _PACK).reshape(-1, 1))
    emb = rows.reshape(_BATCH, _NUM_FIELDS * _EMBED_DIM)
    return jnp.concatenate([numerical, emb], axis=1)

# --- scband reference (transcript-rebuilt; emitter-appended) ---
"""Pipeline reference for scband-standard-feature-flattener-18906446037738 (READ-ONLY COPY).

The authoritative reference and input builder live on the scoring server;
editing this copy changes nothing except your own understanding.
"""

import jax, jax.numpy as jnp
import numpy as np

NUM_FIELDS = 26
VOCAB = 100000
EMBED_DIM = 32
BATCH = 16384
NUM_NUMERICAL = 13


def setup_inputs(seed: int = 0) -> dict:
    key = jax.random.key(seed)
    k1, k2, k3 = jax.random.split(key, 3)
    numerical = jax.random.normal(k1, (BATCH, NUM_NUMERICAL), dtype=jnp.float32)
    cat_indices = jax.random.randint(k2, (BATCH, NUM_FIELDS), 0, VOCAB, dtype=jnp.int64 if jax.config.jax_enable_x64 else jnp.int32)
    # Learned embedding tables, one per categorical feature (stacked).
    tables = jax.random.normal(k3, (NUM_FIELDS, VOCAB, EMBED_DIM), dtype=jnp.float32) * 0.01
    return {"numerical": numerical, "cat_indices": cat_indices, "tables": tables}


def reference(numerical, cat_indices, tables):
    # StandardFeatureFlattener: numerical/boolean features are passed through
    # (expanded to rank 2), categorical features are embedded via per-feature
    # nn.Embed tables, then everything is concatenated on axis=1 as float32.
    def ensure_shape2(v):
        if v.ndim == 1:
            v = jnp.expand_dims(v, axis=1)
        return v

    input_layer = [ensure_shape2(numerical)]
    for f in range(NUM_FIELDS):
        emb = jnp.take(tables[f], cat_indices[:, f], axis=0)
        input_layer.append(emb)
    return jnp.concatenate(input_layer, axis=1).astype(jnp.float32)

if __name__ == "__main__":
    import jax
    _d = setup_inputs()
    print(jax.jit(kernel)(*tuple(_d.values())))

</pallas_src>

<mosaic_0001>
#map = affine_map<(d0, d1) -> (0)>
#map1 = affine_map<(d0, d1) -> (0, 0)>
module attributes {stable_mosaic.version = 14 : i64} {
  func.func @_gather_kernel(%arg0: i32, %arg1: i32, %arg2: memref<425984xi32, #tpu.memory_space<hbm>>, %arg3: memref<650000x128xf32, #tpu.memory_space<hbm>>, %arg4: memref<425984x128xf32, #tpu.memory_space<hbm>>, %arg5: memref<13312xi32, #tpu.memory_space<vmem>>, %arg6: memref<128x128xf32, #tpu.memory_space<vmem>>, %arg7: memref<128x128xf32, #tpu.memory_space<vmem>>, %arg8: memref<!tpu.dma_semaphore, #tpu.memory_space<semaphore_mem>>, %arg9: memref<!tpu.dma_semaphore, #tpu.memory_space<semaphore_mem>>, %arg10: memref<!tpu.dma_semaphore, #tpu.memory_space<semaphore_mem>>, %arg11: memref<!tpu.dma_semaphore, #tpu.memory_space<semaphore_mem>>) attributes {dimension_semantics = [#tpu.dimension_semantics<core_parallel>, #tpu.dimension_semantics<subcore_parallel>], iteration_bounds = array<i64: 2, 16>, scalar_prefetch = 0 : i64, scratch_operands = 7 : i64, tpu.core_type = #tpu.core_type<sc_vector_subcore>, window_params = [{transform_indices = #map}, {transform_indices = #map1}, {transform_indices = #map1}]} {
    %mul3A = arith.constant 2 : i32
    %mul3A_0 = arith.muli %arg1, %mul3A : i32
    %add3A = arith.addi %mul3A_0, %arg0 : i32
    %mul3A_1 = arith.constant 13312 : i32
    %mul3A_2 = arith.muli %add3A, %mul3A_1 : i32
    %multiple_of3A = tpu.assume_multiple %mul3A_2, 128 : i32
    "tpu.region"() ({
      %run_scoped3A = tpu.sem_alloc : memref<!tpu.dma_semaphore, #tpu.memory_space<semaphore_mem>>
      %dma_start3A = tpu.memref_slice %arg2[%multiple_of3A] : memref<425984xi32, #tpu.memory_space<hbm>> -> memref<13312xi32, #tpu.memory_space<hbm>>
      %dma_start3A_7 = tpu.memref_slice %arg2[%multiple_of3A] : memref<425984xi32, #tpu.memory_space<hbm>> -> memref<13312xi32, #tpu.memory_space<hbm>>
      tpu.enqueue_dma source(%dma_start3A_7 : memref<13312xi32, #tpu.memory_space<hbm>>) target(%arg5 : memref<13312xi32, #tpu.memory_space<vmem>>) target_semaphore(%run_scoped3A : memref<!tpu.dma_semaphore, #tpu.memory_space<semaphore_mem>>)
      %dma_wait3A = tpu.memref_slice %arg2[%multiple_of3A] : memref<425984xi32, #tpu.memory_space<hbm>> -> memref<13312xi32, #tpu.memory_space<hbm>>
      %dma_wait3A_8 = tpu.memref_slice %arg2[%multiple_of3A] : memref<425984xi32, #tpu.memory_space<hbm>> -> memref<13312xi32, #tpu.memory_space<hbm>>
      tpu.wait_dma2 semaphore(%run_scoped3A : memref<!tpu.dma_semaphore, #tpu.memory_space<semaphore_mem>>) src(%dma_wait3A_8 : memref<13312xi32, #tpu.memory_space<hbm>>) dst(%arg5 : memref<13312xi32, #tpu.memory_space<vmem>>)
      tpu.yield
    }) : () -> ()
    %scan3A = arith.constant 0 : i32
    %scan3A_3 = arith.constant 52 : i32
    %scan3A_4 = arith.addi %scan3A, %scan3A_3 : i32
    %scan3A_5 = arith.constant 1 : i32
    scf.for %scan3A_7 = %scan3A to %scan3A_4 step %scan3A_5  : i32 {
      %mul3A_8 = arith.constant 1 : i32
      %mul3A_9 = arith.muli %scan3A_7, %mul3A_8 : i32
      %add3A_10 = arith.constant 0 : i32
      %add3A_11 = arith.addi %add3A_10, %mul3A_9 : i32
      %mul3A_12 = arith.constant 2 : i32
      %mul3A_13 = arith.muli %mul3A_12, %add3A_11 : i32
      %mul3A_14 = arith.constant 128 : i32
      %mul3A_15 = arith.muli %mul3A_13, %mul3A_14 : i32
      %multiple_of3A_16 = tpu.assume_multiple %mul3A_15, 128 : i32
      %add3A_17 = arith.constant 128 : i32
      %add3A_18 = arith.addi %multiple_of3A_16, %add3A_17 : i32
      %multiple_of3A_19 = tpu.assume_multiple %add3A_18, 128 : i32
      %dma_start3A = tpu.memref_slice %arg5[%multiple_of3A_16] : memref<13312xi32, #tpu.memory_space<vmem>> -> memref<128xi32, #tpu.memory_space<vmem>>
      %dma_start3A_20 = arith.constant 0 : i32
      %dma_start3A_21 = arith.constant 0 : i32
      %dma_start3A_22 = tpu.memref_slice %arg3[%dma_start3A_20, %dma_start3A_21] : memref<650000x128xf32, #tpu.memory_space<hbm>> -> memref<650000x128xf32, #tpu.memory_space<hbm>>
      tpu.enqueue_indirect_dma source(%dma_start3A_22 : memref<650000x128xf32, #tpu.memory_space<hbm>>) target(%arg6 : memref<128x128xf32, #tpu.memory_space<vmem>>) offsets(%dma_start3A : memref<128xi32, #tpu.memory_space<vmem>>) semaphore(%arg8 : memref<!tpu.dma_semaphore, #tpu.memory_space<semaphore_mem>>)
      %dma_start3A_23 = tpu.memref_slice %arg5[%multiple_of3A_19] : memref<13312xi32, #tpu.memory_space<vmem>> -> memref<128xi32, #tpu.memory_space<vmem>>
      %dma_start3A_24 = arith.constant 0 : i32
      %dma_start3A_25 = arith.constant 0 : i32
      %dma_start3A_26 = tpu.memref_slice %arg3[%dma_start3A_24, %dma_start3A_25] : memref<650000x128xf32, #tpu.memory_space<hbm>> -> memref<650000x128xf32, #tpu.memory_space<hbm>>
      tpu.enqueue_indirect_dma source(%dma_start3A_26 : memref<650000x128xf32, #tpu.memory_space<hbm>>) target(%arg7 : memref<128x128xf32, #tpu.memory_space<vmem>>) offsets(%dma_start3A_23 : memref<128xi32, #tpu.memory_space<vmem>>) semaphore(%arg9 : memref<!tpu.dma_semaphore, #tpu.memory_space<semaphore_mem>>)
      %dma_wait3A = tpu.memref_slice %arg5[%multiple_of3A_16] : memref<13312xi32, #tpu.memory_space<vmem>> -> memref<128xi32, #tpu.memory_space<vmem>>
      %dma_wait3A_27 = arith.constant 0 : i32
      %dma_wait3A_28 = arith.constant 0 : i32
      %dma_wait3A_29 = tpu.memref_slice %arg3[%dma_wait3A_27, %dma_wait3A_28] : memref<650000x128xf32, #tpu.memory_space<hbm>> -> memref<650000x128xf32, #tpu.memory_space<hbm>>
      tpu.wait_indirect_dma semaphore(%arg8 : memref<!tpu.dma_semaphore, #tpu.memory_space<semaphore_mem>>) src(%dma_wait3A_29 : memref<650000x128xf32, #tpu.memory_space<hbm>>) dst(%arg6 : memref<128x128xf32, #tpu.memory_space<vmem>>)
      %add3A_30 = arith.addi %multiple_of3A, %multiple_of3A_16 : i32
      %dma_start3A_31 = arith.constant 0 : i32
      %dma_start3A_32 = tpu.memref_slice %arg4[%add3A_30, %dma_start3A_31] : memref<425984x128xf32, #tpu.memory_space<hbm>> -> memref<128x128xf32, #tpu.memory_space<hbm>>
      %dma_start3A_33 = arith.constant 0 : i32
      %dma_start3A_34 = tpu.memref_slice %arg4[%add3A_30, %dma_start3A_33] : memref<425984x128xf32, #tpu.memory_space<hbm>> -> memref<128x128xf32, #tpu.memory_space<hbm>>
      tpu.enqueue_dma source(%arg6 : memref<128x128xf32, #tpu.memory_space<vmem>>) target(%dma_start3A_34 : memref<128x128xf32, #tpu.memory_space<hbm>>) target_semaphore(%arg10 : memref<!tpu.dma_semaphore, #tpu.memory_space<semaphore_mem>>)
      %dma_wait3A_35 = tpu.memref_slice %arg5[%multiple_of3A_19] : memref<13312xi32, #tpu.memory_space<vmem>> -> memref<128xi32, #tpu.memory_space<vmem>>
      %dma_wait3A_36 = arith.constant 0 : i32
      %dma_wait3A_37 = arith.constant 0 : i32
      %dma_wait3A_38 = tpu.memref_slice %arg3[%dma_wait3A_36, %dma_wait3A_37] : memref<650000x128xf32, #tpu.memory_space<hbm>> -> memref<650000x128xf32, #tpu.memory_space<hbm>>
      tpu.wait_indirect_dma semaphore(%arg9 : memref<!tpu.dma_semaphore, #tpu.memory_space<semaphore_mem>>) src(%dma_wait3A_38 : memref<650000x128xf32, #tpu.memory_space<hbm>>) dst(%arg7 : memref<128x128xf32, #tpu.memory_space<vmem>>)
      %add3A_39 = arith.addi %multiple_of3A, %multiple_of3A_19 : i32
      %dma_start3A_40 = arith.constant 0 : i32
      %dma_start3A_41 = tpu.memref_slice %arg4[%add3A_39, %dma_start3A_40] : memref<425984x128xf32, #tpu.memory_space<hbm>> -> memref<128x128xf32, #tpu.memory_space<hbm>>
      %dma_start3A_42 = arith.constant 0 : i32
      %dma_start3A_43 = tpu.memref_slice %arg4[%add3A_39, %dma_start3A_42] : memref<425984x128xf32, #tpu.memory_space<hbm>> -> memref<128x128xf32, #tpu.memory_space<hbm>>
      tpu.enqueue_dma source(%arg7 : memref<128x128xf32, #tpu.memory_space<vmem>>) target(%dma_start3A_43 : memref<128x128xf32, #tpu.memory_space<hbm>>) target_semaphore(%arg11 : memref<!tpu.dma_semaphore, #tpu.memory_space<semaphore_mem>>)
      %dma_wait3A_44 = arith.constant 0 : i32
      %dma_wait3A_45 = tpu.memref_slice %arg4[%add3A_30, %dma_wait3A_44] : memref<425984x128xf32, #tpu.memory_space<hbm>> -> memref<128x128xf32, #tpu.memory_space<hbm>>
      %dma_wait3A_46 = arith.constant 0 : i32
      %dma_wait3A_47 = tpu.memref_slice %arg4[%add3A_30, %dma_wait3A_46] : memref<425984x128xf32, #tpu.memory_space<hbm>> -> memref<128x128xf32, #tpu.memory_space<hbm>>
      tpu.wait_dma2 semaphore(%arg10 : memref<!tpu.dma_semaphore, #tpu.memory_space<semaphore_mem>>) src(%arg6 : memref<128x128xf32, #tpu.memory_space<vmem>>) dst(%dma_wait3A_47 : memref<128x128xf32, #tpu.memory_space<hbm>>)
      %dma_wait3A_48 = arith.constant 0 : i32
      %dma_wait3A_49 = tpu.memref_slice %arg4[%add3A_39, %dma_wait3A_48] : memref<425984x128xf32, #tpu.memory_space<hbm>> -> memref<128x128xf32, #tpu.memory_space<hbm>>
      %dma_wait3A_50 = arith.constant 0 : i32
      %dma_wait3A_51 = tpu.memref_slice %arg4[%add3A_39, %dma_wait3A_50] : memref<425984x128xf32, #tpu.memory_space<hbm>> -> memref<128x128xf32, #tpu.memory_space<hbm>>
      tpu.wait_dma2 semaphore(%arg11 : memref<!tpu.dma_semaphore, #tpu.memory_space<semaphore_mem>>) src(%arg7 : memref<128x128xf32, #tpu.memory_space<vmem>>) dst(%dma_wait3A_51 : memref<128x128xf32, #tpu.memory_space<hbm>>)
    }
    %scan3A_6 = arith.constant 52 : i32
    return
  }
}

module attributes {stable_mosaic.version = 14 : i64} {
  func.func @_extract_body(%arg0: i32, %arg1: memref<1024x1xi32, #tpu.memory_space<vmem>>, %arg2: memref<1024x128xf32, #tpu.memory_space<vmem>>, %arg3: memref<1024x32xf32, #tpu.memory_space<vmem>>) attributes {dimension_semantics = [#tpu.dimension_semantics<arbitrary>], iteration_bounds = array<i64: 416>, scalar_prefetch = 0 : i64, scratch_operands = 0 : i64, tpu.core_type = #tpu.core_type<tc>, window_params = [{transform_indices = @transform_0, window_bounds = array<i64: 1024, 1>}, {transform_indices = @transform_1, window_bounds = array<i64: 1024, 128>}, {transform_indices = @transform_2, window_bounds = array<i64: 1024, 32>}]} {
    %get3A = arith.constant 0 : index
    %get3A_0 = arith.constant 0 : index
    %get3A_1 = vector.load %arg1[%get3A, %get3A_0] : memref<1024x1xi32, #tpu.memory_space<vmem>>, vector<1024x1xi32>
    %broadcast_in_dim3A = arith.constant 0.000000e+00 : f32
    %broadcast_in_dim3A_2 = vector.broadcast %broadcast_in_dim3A : f32 to vector<1024x32xf32>
    %eq3A = arith.constant 0 : i32
    %eq3A_3 = vector.broadcast %eq3A : i32 to vector<1024x1xi32>
    %eq3A_4 = arith.cmpi eq, %get3A_1, %eq3A_3 : vector<1024x1xi32>
    %convert_element_type3A = arith.extui %eq3A_4 : vector<1024x1xi1> to vector<1024x1xi32>
    %convert_element_type3A_5 = arith.sitofp %convert_element_type3A : vector<1024x1xi32> to vector<1024x1xf32>
    %get3A_6 = arith.constant 0 : index
    %get3A_7 = arith.constant 0 : index
    %get3A_8 = vector.load %arg2[%get3A_6, %get3A_7] : memref<1024x128xf32, #tpu.memory_space<vmem>>, vector<1024x32xf32>
    %mul3A = vector.broadcast %convert_element_type3A_5 : vector<1024x1xf32> to vector<1024x32xf32>
    %mul3A_9 = arith.mulf %get3A_8, %mul3A : vector<1024x32xf32>
    %add3A = arith.addf %broadcast_in_dim3A_2, %mul3A_9 : vector<1024x32xf32>
    %eq3A_10 = arith.constant 1 : i32
    %eq3A_11 = vector.broadcast %eq3A_10 : i32 to vector<1024x1xi32>
    %eq3A_12 = arith.cmpi eq, %get3A_1, %eq3A_11 : vector<1024x1xi32>
    %convert_element_type3A_13 = arith.extui %eq3A_12 : vector<1024x1xi1> to vector<1024x1xi32>
    %convert_element_type3A_14 = arith.sitofp %convert_element_type3A_13 : vector<1024x1xi32> to vector<1024x1xf32>
    %get3A_15 = arith.constant 0 : index
    %get3A_16 = arith.constant 32 : index
    %get3A_17 = vector.load %arg2[%get3A_15, %get3A_16] : memref<1024x128xf32, #tpu.memory_space<vmem>>, vector<1024x32xf32>
    %mul3A_18 = vector.broadcast %convert_element_type3A_14 : vector<1024x1xf32> to vector<1024x32xf32>
    %mul3A_19 = arith.mulf %get3A_17, %mul3A_18 : vector<1024x32xf32>
    %add3A_20 = arith.addf %add3A, %mul3A_19 : vector<1024x32xf32>
    %eq3A_21 = arith.constant 2 : i32
    %eq3A_22 = vector.broadcast %eq3A_21 : i32 to vector<1024x1xi32>
    %eq3A_23 = arith.cmpi eq, %get3A_1, %eq3A_22 : vector<1024x1xi32>
    %convert_element_type3A_24 = arith.extui %eq3A_23 : vector<1024x1xi1> to vector<1024x1xi32>
    %convert_element_type3A_25 = arith.sitofp %convert_element_type3A_24 : vector<1024x1xi32> to vector<1024x1xf32>
    %get3A_26 = arith.constant 0 : index
    %get3A_27 = arith.constant 64 : index
    %get3A_28 = vector.load %arg2[%get3A_26, %get3A_27] : memref<1024x128xf32, #tpu.memory_space<vmem>>, vector<1024x32xf32>
    %mul3A_29 = vector.broadcast %convert_element_type3A_25 : vector<1024x1xf32> to vector<1024x32xf32>
    %mul3A_30 = arith.mulf %get3A_28, %mul3A_29 : vector<1024x32xf32>
    %add3A_31 = arith.addf %add3A_20, %mul3A_30 : vector<1024x32xf32>
    %eq3A_32 = arith.constant 3 : i32
    %eq3A_33 = vector.broadcast %eq3A_32 : i32 to vector<1024x1xi32>
    %eq3A_34 = arith.cmpi eq, %get3A_1, %eq3A_33 : vector<1024x1xi32>
    %convert_element_type3A_35 = arith.extui %eq3A_34 : vector<1024x1xi1> to vector<1024x1xi32>
    %convert_element_type3A_36 = arith.sitofp %convert_element_type3A_35 : vector<1024x1xi32> to vector<1024x1xf32>
    %get3A_37 = arith.constant 0 : index
    %get3A_38 = arith.constant 96 : index
    %get3A_39 = vector.load %arg2[%get3A_37, %get3A_38] : memref<1024x128xf32, #tpu.memory_space<vmem>>, vector<1024x32xf32>
    %mul3A_40 = vector.broadcast %convert_element_type3A_36 : vector<1024x1xf32> to vector<1024x32xf32>
    %mul3A_41 = arith.mulf %get3A_39, %mul3A_40 : vector<1024x32xf32>
    %add3A_42 = arith.addf %add3A_31, %mul3A_41 : vector<1024x32xf32>
    %swap3A = arith.constant 0 : index
    %swap3A_43 = arith.constant 0 : index
    %swap3A_44 = vector.load %arg3[%swap3A, %swap3A_43] : memref<1024x32xf32, #tpu.memory_space<vmem>>, vector<1024x32xf32>
    tpu.vector_store %arg3[%swap3A, %swap3A_43], %add3A_42 {strides = array<i32>} : memref<1024x32xf32, #tpu.memory_space<vmem>>, vector<1024x32xf32>,
    return
  }
  func.func @transform_0(%arg0: i32) -> (i32, i32) {
    %c0_i32 = arith.constant 0 : i32
    %c0_i32_0 = arith.constant 0 : i32
    return %arg0, %c0_i32 : i32, i32
  }
  func.func @transform_1(%arg0: i32) -> (i32, i32) {
    %c0_i32 = arith.constant 0 : i32
    %c0_i32_0 = arith.constant 0 : i32
    return %arg0, %c0_i32 : i32, i32
  }
  func.func @transform_2(%arg0: i32) -> (i32, i32) {
    %c0_i32 = arith.constant 0 : i32
    %c0_i32_0 = arith.constant 0 : i32
    return %arg0, %c0_i32 : i32, i32
  }
}

</mosaic_0001>

<sc_bundles>
// kernel: kernel.4.cloned.1.call-start
scs
__scs_entry_jumppad:
0x0: {  	(pc) =	sbr.rel $0x88, $3  }
0x1: {  	(tag) =	ssettag $0x0;
	lr =	simm.s32 $0x1  }
0x2: {  	[smem:$0x3F9E] =	sst lr;
	_ =	strace $0xD0000000  }
0x3: {  	_ = 	snop  }
0x4: {  	_ = 	snop  }
0x5: {  	_ = 	snop  }
0x6: {  	_ = 	snop  }
0x7: {  	_ = 	snop  }
__scs_overlays_trampoline_lowered:
0x8: {  	[smem:$0x3FAD] =	sst s0  }
0x9: {  	[smem:$0x3FAE] =	sst s1  }
0xa: {  	[smem:$0x3FAF] =	sst s2  }
0xb: {  	[smem:$0x3FB0] =	sst s3  }
0xc: {  	[smem:$0x3FB1] =	sst s4  }
0xd: {  	[smem:$0x3FB2] =	sst s5  }
0xe: {  	[smem:$0x3FB3] =	sst s6  }
0xf: {  	[smem:$0x3FB4] =	sst s7  }
0x10: {  	[smem:$0x3FB5] =	sst s8  }
0x11: {  	[smem:$0x3FB6] =	sst s9;
	s0 =	simm.s32 @!p0 $0x0  }
0x12: {  	s1 =	sld [smem:$0x3F9C];
	s0 =	simm.s32 @p0 $0x1  }
0x13: {  	[smem:$0x3FB7] =	sst s0;
	s0 =	simm.s32 @!p1 $0x0  }
0x14: {  	s2 =	sld [smem:$0x3F9B];
	s0 =	simm.s32 @p1 $0x1  }
0x15: {  	[smem:$0x3FB8] =	sst s0;
	s0 =	simm.s32 @!p2 $0x0  }
0x16: {  	s3 =	sld [smem:$0x3FDB];
	s0 =	simm.s32 @p2 $0x1  }
0x17: {  	s4 =	simm.s32 $0x1BF5;
	[smem:$0x3FBA] =	sst s0  }
0x18: {  	s0 =	sld [smem:$0x3F9D];
	_ =	swait.ge [sflag:s4], $0x0  }
0x19: {  	s7 =	sld [smem:$0x3F9E]  }
0x1a: {  	s8 =	sadd.s32 $0xFFFFE003, lr  }
0x1b: {  	s9 =	sadd.s32 $0xFFFFFEF7, lr;
	s5 =	simm.s32 $0xFFFFFFFF;
	p2 =	slt.u32 s8, $0xFFFFF086  }
0x1c: {  	p1 =	slt.u32 s9, $0xF7A;
	s5 =	simm.s32 @!p2 $0x0  }
0x1d: {  	s5 =	simm.s32 @p1 $0x1;
	p0 =	seq.s32 s7, s2  }
0x1e: {  	s7 =	smul.u32 @!p0 $0xF7A, s2;
	p2 =	seq.s32 @!p0 s5, $0x0  }
0x1f: {  	s9 =	smul.u32 $0xF7A, s1;
	s8 =	simm.s32 @!p0 $0x1BF5;
	p2 =	por !p2, p0  }
0x20: {  	[sflag:s8] =	ssyncset.s32 @!p0 $0xFFFFF086;
	s6 =	sadd.s32 @!p0 s3, s7;
	s7 =	simm.s32 @!p0 $0x108  }
0x21: {  	s3 =	sadd.s32 s3, s9;
	s6 =	sadd.s32 @!p0 $0x88, s6;
	s7 =	simm.s32 @p2 $0x1082  }
0x22: {  	[simem:s7], [sflag:s8] =	dma.local @!p0 [hbm:s6], $0xF7A  }
0x23: {  	s9 =	sor.u32 $0xD0000000, s2;
	s6 =	simm.s32 $0x108;
	_ =	swait.ge @!p0 [sflag:s8], $0x0  }
0x24: {  	s3 =	sadd.s32 $0x88, s3;
	s6 =	simm.s32 @!p1 $0x1082;
	[sflag:s4] =	ssyncset.s32 $0xFFFFF086  }
0x25: {  	[simem:s6], [sflag:s4] =	dma.local [hbm:s3], $0xF7A  }
0x26: {  	[smem:$0x3F9E] =	sst s1;
	(tag) =	ssettag s2;
	_ =	strace s9  }
0x27: {  	s1 =	sld [smem:$0x3FAE]  }
0x28: {  	s2 =	sld [smem:$0x3FAF]  }
0x29: {  	s4 =	sld [smem:$0x3FB1]  }
0x2a: {  	p0 =	seq.s32 s5, $0x0;
	s5 =	sld [smem:$0x3FB2]  }
0x2b: {  	s6 =	sld [smem:$0x3FB3]  }
0x2c: {  	s7 =	sld [smem:$0x3FB4]  }
0x2d: {  	s3 =	simm.s32 $0x108;
	s8 =	sld [smem:$0x3FB5]  }
0x2e: {  	s3 =	simm.s32 @!p0 $0x1082;
	s9 =	sld [smem:$0x3FB6]  }
0x2f: {  	lr =	sadd.s32 s0, s3;
	s0 =	sld [smem:$0x3FAD]  }
0x30: {  	s3 =	sld [smem:$0x3FB0]  }
0x31: {  	[smem:$0x3FB9] =	sst s10  }
0x32: {  	s10 =	sld [smem:$0x3FB7];
	_ =	sdelay $0x3  }
0x33: {  	p0 =	seq.s32 s10, $0x1;
	s10 =	sld [smem:$0x3FB9];
	_ =	sdelay $0x3  }
0x34: {  	[smem:$0x3FB9] =	sst s10  }
0x35: {  	s10 =	sld [smem:$0x3FB8];
	_ =	sdelay $0x3  }
0x36: {  	p1 =	seq.s32 s10, $0x1;
	s10 =	sld [smem:$0x3FB9];
	_ =	sdelay $0x3  }
0x37: {  	[smem:$0x3FB9] =	sst s10  }
0x38: {  	s10 =	sld [smem:$0x3FBA]  }
0x39: {  	_ = 	snop;
	(pc) =	sbr.ind lr, $3  }
0x3a: {  	_ = 	snop  }
0x3b: {  	_ = 	snop  }
0x3c: {  	p2 =	seq.s32 s10, $0x1;
	s10 =	sld [smem:$0x3FB9]  }
0x3d: {  	_ =	shalt  }
0x3e: {  	_ =	shalt  }
0x3f: {  	_ =	shalt  }
0x40: {  	_ =	shalt  }
0x41: {  	_ =	shalt  }
0x42: {  	_ =	shalt  }
0x43: {  	_ =	shalt  }
0x44: {  	_ =	shalt  }
0x45: {  	_ =	shalt  }
0x46: {  	_ =	shalt  }
0x47: {  	_ =	shalt  }
0x48: {  	_ =	shalt  }
0x49: {  	_ =	shalt  }
0x4a: {  	_ =	shalt  }
0x4b: {  	_ =	shalt  }
0x4c: {  	_ =	shalt  }
0x4d: {  	_ =	shalt  }
0x4e: {  	_ =	shalt  }
0x4f: {  	_ =	shalt  }
0x50: {  	_ =	shalt  }
0x51: {  	_ =	shalt  }
0x52: {  	_ =	shalt  }
0x53: {  	_ =	shalt  }
0x54: {  	_ =	shalt  }
0x55: {  	_ =	shalt  }
0x56: {  	_ =	shalt  }
0x57: {  	_ =	shalt  }
0x58: {  	_ =	shalt  }
0x59: {  	_ =	shalt  }
0x5a: {  	_ =	shalt  }
0x5b: {  	_ =	shalt  }
0x5c: {  	_ =	shalt  }
0x5d: {  	_ =	shalt  }
0x5e: {  	_ =	shalt  }
0x5f: {  	_ =	shalt  }
0x60: {  	_ =	shalt  }
0x61: {  	_ =	shalt  }
0x62: {  	_ =	shalt  }
0x63: {  	_ =	shalt  }
0x64: {  	_ =	shalt  }
0x65: {  	_ =	shalt  }
0x66: {  	_ =	shalt  }
0x67: {  	_ =	shalt  }
0x68: {  	_ =	shalt  }
0x69: {  	_ =	shalt  }
0x6a: {  	_ =	shalt  }
0x6b: {  	_ =	shalt  }
0x6c: {  	_ =	shalt  }
0x6d: {  	_ =	shalt  }
0x6e: {  	_ =	shalt  }
0x6f: {  	_ =	shalt  }
0x70: {  	_ =	shalt  }
0x71: {  	_ =	shalt  }
0x72: {  	_ =	shalt  }
0x73: {  	_ =	shalt  }
0x74: {  	_ =	shalt  }
0x75: {  	_ =	shalt  }
0x76: {  	_ =	shalt  }
0x77: {  	_ =	shalt  }
0x78: {  	_ =	shalt  }
0x79: {  	_ =	shalt  }
0x7a: {  	_ =	shalt  }
0x7b: {  	_ =	shalt  }
0x7c: {  	_ =	shalt  }
0x7d: {  	_ =	shalt  }
0x7e: {  	_ =	shalt  }
0x7f: {  	_ =	shalt  }
0x80: {  	_ =	shalt  }
0x81: {  	_ =	shalt  }
0x82: {  	_ =	shalt  }
0x83: {  	_ =	shalt  }
0x84: {  	_ =	shalt  }
0x85: {  	_ =	shalt  }
0x86: {  	_ =	shalt  }
0x87: {  	_ =	shalt  }
.Lfunc_end0:
.L_simem_size_0:
called_computation.1_lowered:
.L_overlay_start_0:
0x88: {  	s2 =	sld [smem:$0x3FD9]  }
0x89: {  	s3 =	sld [smem:$0x3FFE];
	_ =	sdelay $0x1  }
0x8a: {  	s1 =	srdreg.scid  }
0x8b: {  	s0 =	sand.u32 $0x1, s1  }
0x8c: {  	s16 =	sshll.u32 s0, $0xA;
	s2 =	sadd.s32 s3, s2  }
0x8d: {  	s2 =	sadd.s32 s2, s16  }
0x8e: {  	[smem:$0x3FC5] =	sst s2  }
0x8f: {  	_ = 	snop  }
0x90: {  	(tm) =	ssettm $0x1  }
0x91: {  	s17 =	sld [smem:$0x3FFB];
	_ =	sdelay $0x3  }
0x92: {  	_ =	strace s17  }
0x93: {  	s2 =	sld [smem:$0x3FFC];
	_ =	sdelay $0x3  }
0x94: {  	_ =	strace s2  }
0x95: {  	s2 =	sld [smem:$0x3FFD];
	_ =	sdelay $0x3  }
0x96: {  	_ =	strace s2  }
0x97: {  	_ =	strace $0x8FFFFFFF  }
0x98: {  	s18 =	sld [smem:$0x3FDB];
	_ =	sdelay $0x1  }
0x99: {  	s19 =	simm.s32 $_scs_section_size  }
0x9a: {  	s4 =	simm.s32 $_size__tile_overlayer_lowered;
	s5 =	simm.s32 $_tile_overlayer_lowered  }
0x9b: {  	s22 =	simm.s32 $0x1BFF;
	s21 =	sshll.u32 s5, $0x1;
	s2 =	sadd.s32 s19, s18  }
0x9c: {  	s6 =	simm.s32 $0x0;
	s20 =	sshll.u32 s4, $0x1;
	s4 =	sadd.s32 s21, s2  }
0x9d: {  	[timem:s6], [sflag:s22] =	dma.local [hbm:s4], s20  }
0x9e: {  	_ =	swait.ge [sflag:s22], s20  }
0x9f: {  	s3 =	ssub.s32 $0x0, s20;
	[sflag:s22] =	ssyncset.done $0x0  }
0xa0: {  	[sflag:s22] =	ssyncadd.s32 s3;
	_ =	sdelay $0x1  }
0xa1: {  	s23 =	simm.s32 $0x1B8B  }
0xa2: {  	_ =	swait.ge [sflag:s23], $0x1  }
0xa3: {  	[sflag:s23] =	ssyncset.done $0x0  }
0xa4: {  	s25 =	simm.s32 $0x1B8E;
	s24 =	sld [smem:$0x3FFE];
	[sflag:s23] =	ssyncadd.s32 $0xFFFFFFFF  }
0xa5: {  	s26 =	simm.s32 $execute0_lowered;
	[smem:$0x3FD2] =	sst s25  }
0xa6: {  	s4 =	sshll.u32 s26, $0x1;
	_ =	strace $0x80000046;
	[dreg:$0x1] =	wrdreg $0xFFFFFFFF  }
0xa7: {  	s28 =	simm.s32 $_size_execute0_lowered;
	s2 =	sadd.s32 s2, s4;
	[dreg:$0x0] =	wrdreg $0x0  }
0xa8: {  	s4 =	sshll.u32 s28, $0x1;
	[dreg:$0x2] =	wrdreg s2  }
0xa9: {  	[dreg:$0x3] =	wrdreg s4  }
0xaa: {  	[dreg:$0x4] =	wrdreg $0xC0  }
0xab: {  	_ =	task [dreg:s6], $0x5FFFF  }
0xac: {  	[dreg:$0x1] =	wrdreg $0xFFFFFFFF  }
0xad: {  	[dreg:$0x0] =	wrdreg $0x60  }
0xae: {  	[dreg:$0x2] =	wrdreg s24  }
0xaf: {  	[dreg:$0x3] =	wrdreg $0x9  }
0xb0: {  	_ =	task.clear_ibuf [dreg:s6], $0x4FFFF;
	_ =	strace $0x90000046  }
0xb1: {  	s29 =	simm.s32 $0x9;
	_ =	strace $0x80000048  }
0xb2: {  	_ =	swait.ge [sflag:s29], $0x1  }
0xb3: {  	[sflag:s29] =	ssyncadd.s32 $0xFFFFFFFF  }
0xb4: {  	_ =	strace $0x90000048  }
0xb5: {  	_ =	sfence  }
0xb6: {  	s30 =	sld [smem:$0x0];
	_ =	sdelay $0x2  }
0xb7: {  	s31 =	sshll.u32 s1, $0xD;
	s1 =	sshrl.u32 s1, $0x2  }
0xb8: {  	s3 =	sand.u32 $0x4000, s31;
	s1 =	sadd.s32 s1, s30  }
0xb9: {  	s0 =	sor.u32 s3, s0;
	s1 =	sshll.u32 s1, $0x11  }
0xba: {  	s0 =	sor.u32 s1, s0  }
0xbb: {  	s0 =	sadd.s32 $0x8F2B, s0  }
0xbc: {  	[sflag:s0] =	ssyncadd.remote.s32 $0x1  }
0xbd: {  	_ =	sfence.sel $0xFFFF  }
0xbe: {  	[dreg:$0x0] =	wrdreg $0xFFFFFFFF;
	(pc) =	sbr.abs _section_cstart, $3  }
0xbf: {  	[dreg:$0x1] =	wrdreg $0xFFFFFFFF  }
0xc0: {  	_ =	task.clear_ibuf [dreg:s6], $0x2FFFF;
	_ =	strace $0x9FFFFFFF  }
0xc1: {  	(tm) =	ssettm $0x7FFFFFFF  }
tec
execute0_lowered:
.L_overlay_start_1:
0x0: {  	(tag) =	ssettag $0x1  }
0x1: {  	s1 =	srdreg.scid  }
0x2: {  	s0 =	stileid.u32;
	s3 =	rddreg [dreg:$0x0]  }
0x3: {  	s2 =	simm.s32 $0x0;
	s9 =	simm.s32 $0x3400;
	s10 =	simm.s32 $0x7400  }
0x4: {  	s11 =	simm.s32 $0x1;
	s12 =	simm.s32 $0x2;
	s13 =	simm.s32 $0x3  }
0x5: {  	s14 =	simm.s32 $0x4;
	s15 =	simm.s32 $0x0;
	s4 =	sand.u32 $0x1, s1  }
0x6: {  	s5 =	sshll.u32 s0, $0x1;
	s1 =	rddreg [dreg:$0x1];
	s6 =	smul.u32 $0x68000, s0  }
0x7: {  	s5 =	sor.u32 s4, s5;
	s7 =	ssub.s32 $0x2, s4;
	s4 =	smul.u32 $0x34000, s4  }
0x8: {  	[smem:$0x7FF] =	sst s2;
	s5 =	smul.u32 $0x3400, s5;
	s8 =	sshrl.u32 s7, $0x1  }
0x9: {  	_ =	strace $0x80000047;
	s6 =	sadd.s32 s6, s3;
	s7 =	ssub.s32 s7, s8  }
0xa: {  	s6 =	sadd.s32 s4, s6;
	s8 =	simm.s32 $0x80;
	s5 =	sshrl.u32 s5, $0x3  }
0xb: {  	s6 =	sadd.s32 $0xE800, s6;
	s5 =	sadd.s32 s5, s3;
	s3 =	sadd.s32 $0x27BA400, s3  }
0xc: {  	s4 =	sadd.s32 $0x1000, s5;
	s5 =	smax.u32 s7, $0x1;
	s7 =	simm.s32 $0x5  }
.LBB2_1:
0xd: {  	[tilespmem:s2], [sflag:$0x5] =	stream.linear.gather [hbm4b:s4+s2], $0x3400, $0x38;
	[tilespmem:$0xB400] =	vst v63  }
0xe: {  	_ =	swait.ge [sflag:s7], $0x3400  }
0xf: {  	[sflag:s7] =	ssyncset.done $0x0  }
0x10: {  	s16 =	simm.s32 $0x0;
	[sflag:s7] =	ssyncadd.s32 $0xFFFFCC00  }
0x11: {  	[tilespmem:s9], [sflag:$0x1] =	stream.indirect.gather [hbm4b:s3+s8], $0x80, s16, s8, $0xb8;
	[tilespmem:$0xB400] =	vst v63  }
0x12: {  	s30 =	simm.s32 $0x80  }
0x13: {  	[tilespmem:s10], [sflag:$0x2] =	stream.indirect.gather [hbm4b:s3+s8], $0x80, s30, s8, $0xb8;
	[tilespmem:$0xB400] =	vst v63  }
0x14: {  	_ =	swait.ge [sflag:s11], $0x4000  }
0x15: {  	[sflag:s11] =	ssyncset.done $0x0  }
0x16: {  	s31 =	sadd.s32 $0xFFFFF800, s6;
	[sflag:s11] =	ssyncadd.s32 $0xFFFFC000  }
0x17: {  	[hbm4b:s31+s2] =	stream.linear.scatter [tilespmem:s9], [sflag:$0x3], $0x4000, $0x38;
	[tilespmem:$0xB400] =	vst v63  }
0x18: {  	_ =	swait.ge [sflag:s12], $0x4000  }
0x19: {  	[sflag:s12] =	ssyncset.done $0x0  }
0x1a: {  	[sflag:s12] =	ssyncadd.s32 $0xFFFFC000  }
0x1b: {  	[hbm4b:s6+s2] =	stream.linear.scatter [tilespmem:s10], [sflag:$0x4], $0x4000, $0x38;
	[tilespmem:$0xB400] =	vst v63  }
0x1c: {  	_ =	swait.ge [sflag:s13], $0x4000  }
0x1d: {  	[sflag:s13] =	ssyncset.done $0x0  }
0x1e: {  	[sflag:s13] =	ssyncadd.s32 $0xFFFFC000  }
0x1f: {  	s17 =	simm.s32 $0x400;
	_ =	swait.ge [sflag:s14], $0x4000  }
0x20: {  	s18 =	simm.s32 $0x800;
	s16 =	sadd.s32 $0x1000, s6;
	[sflag:s14] =	ssyncset.done $0x0  }
.LBB2_2:
0x21: {  	s19 =	sshra.s32 s17, $0x2  }
0x22: {  	[sflag:s14] =	ssyncadd.s32 $0xFFFFC000;
	s17 =	smov.u32 s18;
	s20 =	sadd.s32 $0x400, s18  }
0x23: {  	[tilespmem:s9], [sflag:$0x1] =	stream.indirect.gather [hbm4b:s3+s8], $0x80, s19, s8, $0xb8;
	[tilespmem:$0xB400] =	vst v63  }
0x24: {  	p0 =	sne.s32 s18, $0xCC00;
	s18 =	sadd.s32 $0x80, s19  }
0x25: {  	[tilespmem:s10], [sflag:$0x2] =	stream.indirect.gather [hbm4b:s3+s8], $0x80, s18, s8, $0xb8;
	[tilespmem:$0xB400] =	vst v63  }
0x26: {  	_ =	swait.ge [sflag:s11], $0x4000  }
0x27: {  	[sflag:s11] =	ssyncset.done $0x0  }
0x28: {  	s18 =	sadd.s32 $0xFFFFF800, s16;
	[sflag:s11] =	ssyncadd.s32 $0xFFFFC000  }
0x29: {  	[hbm4b:s18+s2] =	stream.linear.scatter [tilespmem:s9], [sflag:$0x3], $0x4000, $0x38;
	[tilespmem:$0xB400] =	vst v63  }
0x2a: {  	_ =	swait.ge [sflag:s12], $0x4000  }
0x2b: {  	[sflag:s12] =	ssyncset.done $0x0  }
0x2c: {  	[sflag:s12] =	ssyncadd.s32 $0xFFFFC000  }
0x2d: {  	[hbm4b:s16+s2] =	stream.linear.scatter [tilespmem:s10], [sflag:$0x4], $0x4000, $0x38;
	[tilespmem:$0xB400] =	vst v63  }
.Ltmp0:
0x2e: {  	_ =	swait.ge [sflag:s13], $0x4000;
	(pc) =	sbr.rel @p0 .LBB2_2-.Ltmp0, $4  }
0x2f: {  	[sflag:s13] =	ssyncset.done $0x0  }
0x30: {  	[sflag:s13] =	ssyncadd.s32 $0xFFFFC000  }
0x31: {  	_ =	swait.ge [sflag:s14], $0x4000  }
0x32: {  	s18 =	smov.u32 s20;
	s16 =	sadd.s32 $0x1000, s16;
	[sflag:s14] =	ssyncset.done $0x0  }
0x33: {  	s17 =	sshra.s32 s17, $0x2;
	[sflag:s14] =	ssyncadd.s32 $0xFFFFC000  }
0x34: {  	[tilespmem:s9], [sflag:$0x1] =	stream.indirect.gather [hbm4b:s3+s8], $0x80, s17, s8, $0xb8;
	[tilespmem:$0xB400] =	vst v63  }
0x35: {  	s17 =	sadd.s32 $0x80, s17  }
0x36: {  	[tilespmem:s10], [sflag:$0x2] =	stream.indirect.gather [hbm4b:s3+s8], $0x80, s17, s8, $0xb8;
	[tilespmem:$0xB400] =	vst v63  }
0x37: {  	_ =	swait.ge [sflag:s11], $0x4000  }
0x38: {  	[sflag:s11] =	ssyncset.done $0x0  }
0x39: {  	s31 =	sadd.s32 $0xFFFFF800, s16;
	[sflag:s11] =	ssyncadd.s32 $0xFFFFC000  }
0x3a: {  	[hbm4b:s31+s2] =	stream.linear.scatter [tilespmem:s9], [sflag:$0x3], $0x4000, $0x38;
	[tilespmem:$0xB400] =	vst v63  }
0x3b: {  	_ =	swait.ge [sflag:s12], $0x4000  }
0x3c: {  	[sflag:s12] =	ssyncset.done $0x0  }
0x3d: {  	s15 =	sadd.s32 $0x1, s15;
	[sflag:s12] =	ssyncadd.s32 $0xFFFFC000  }
0x3e: {  	[hbm4b:s16+s2] =	stream.linear.scatter [tilespmem:s10], [sflag:$0x4], $0x4000, $0x38;
	[tilespmem:$0xB400] =	vst v63  }
0x3f: {  	p0 =	sne.s32 s15, s5;
	_ =	swait.ge [sflag:s13], $0x4000  }
.Ltmp1:
0x40: {  	[sflag:s13] =	ssyncset.done $0x0;
	(pc) =	sbr.rel @p0 .LBB2_1-.Ltmp1, $4  }
0x41: {  	[sflag:s13] =	ssyncadd.s32 $0xFFFFC000  }
0x42: {  	_ =	swait.ge [sflag:s14], $0x4000  }
0x43: {  	[sflag:s14] =	ssyncset.done $0x0  }
0x44: {  	[sflag:s14] =	ssyncadd.s32 $0xFFFFC000  }
0x45: {  	_ =	sfence.sel $0x180000  }
0x46: {  	[bflag:$0x0] =	sbarrier.arrive $0xFFFF  }
0x47: {  	p0 =	sne.s32 s0, $0x0;
	_ =	strace $0x90000047  }
0x48: {  	s0 =	sadd.s32 @!p0 $0x100000, s1;
	[bflag:$0x2] =	sbarrier.arrive $0xFFFF  }
0x49: {  	[sflag:s0] =	ssyncadd.tile.s32 @!p0 $0x1;
	_ =	shalt  }
.Lfunc_end2:
_tile_overlayer_lowered:
.L_overlay_start_2:
0x4a: {  	(tag) =	ssettag $0x2  }
0x4b: {  	s0 =	rddreg [dreg:$0x0];
	s2 =	stileid.u32  }
0x4c: {  	s1 =	rddreg [dreg:$0x1];
	p0 =	sne.s32 s2, $0x0  }
0x4d: {  	s3 =	rddreg [dreg:$0x2];
	[bflag:$0x3] =	sbarrier.arrive $0xFFFF;
	s2 =	simm.s32 @!p0 $0x1C05  }
0x4e: {  	[timem:s3], [sflag:s2] =	dma.local @!p0 [hbm:s0], s1  }
0x4f: {  	s0 =	simm.s32 @!p0 $0x5  }
0x50: {  	_ =	swait.ge @!p0 [sflag:s0], s1  }
0x51: {  	s1 =	ssub.s32 @!p0 $0x0, s1;
	[sflag:s0] =	ssyncset.done @!p0 $0x0  }
0x52: {  	[sflag:s0] =	ssyncadd.s32 @!p0 s1  }
0x53: {  	[bflag:$0x3] =	sbarrier.arrive $0xFFFF  }
0x54: {  	_ =	shalt  }

// kernel: sparse-core-data-format-call.cloned.1.call-start
scs
called_computation_lowered:
.L_overlay_start_0:
0x0: {  	s2 =	sld [smem:$0x3FD9]  }
0x1: {  	s3 =	sld [smem:$0x3FFE];
	_ =	sdelay $0x1  }
0x2: {  	s1 =	srdreg.scid  }
0x3: {  	s0 =	sand.u32 $0x1, s1  }
0x4: {  	s18 =	sshll.u32 s0, $0xA;
	s2 =	sadd.s32 s3, s2  }
0x5: {  	s2 =	sadd.s32 s2, s18  }
0x6: {  	[smem:$0x3FC5] =	sst s2  }
0x7: {  	_ = 	snop  }
0x8: {  	s2 =	sld [smem:$0x3FD0];
	(tm) =	ssettm $0x1  }
0x9: {  	s19 =	sld [smem:$0x3FFB];
	_ =	sdelay $0x3  }
0xa: {  	_ =	strace s19  }
0xb: {  	s3 =	sld [smem:$0x3FFC];
	_ =	sdelay $0x3  }
0xc: {  	_ =	strace s3  }
0xd: {  	s3 =	sld [smem:$0x3FFD];
	_ =	sdelay $0x3  }
0xe: {  	_ =	strace s3  }
0xf: {  	_ =	strace $0x8FFFFFFF  }
0x10: {  	s20 =	sld [smem:$0x3FDB];
	_ =	sdelay $0x1  }
0x11: {  	s4 =	simm.s32 $_scs_section_size  }
0x12: {  	s5 =	simm.s32 $_size__tile_overlayer_lowered;
	s6 =	simm.s32 $_tile_overlayer_lowered  }
0x13: {  	s23 =	simm.s32 $0x1BFF;
	s22 =	sshll.u32 s6, $0x1;
	s3 =	sadd.s32 s4, s20  }
0x14: {  	s7 =	simm.s32 $0x0;
	s21 =	sshll.u32 s5, $0x1;
	s5 =	sadd.s32 s22, s3  }
0x15: {  	[timem:s7], [sflag:s23] =	dma.local [hbm:s5], s21  }
0x16: {  	_ =	swait.ge [sflag:s23], s21  }
0x17: {  	s4 =	ssub.s32 $0x0, s21;
	[sflag:s23] =	ssyncset.done $0x0  }
0x18: {  	[sflag:s23] =	ssyncadd.s32 s4;
	_ =	sdelay $0x1  }
0x19: {  	s24 =	simm.s32 $0x1B8B  }
0x1a: {  	_ =	swait.ge [sflag:s24], $0x1  }
0x1b: {  	[sflag:s24] =	ssyncset.done $0x0  }
0x1c: {  	s26 =	simm.s32 $0x1B8E;
	s25 =	sld [smem:$0x3FFE];
	[sflag:s24] =	ssyncadd.s32 $0xFFFFFFFF  }
0x1d: {  	s27 =	simm.s32 $execute0_lowered;
	[smem:$0x3FD2] =	sst s26  }
0x1e: {  	s5 =	sshll.u32 s27, $0x1;
	_ =	strace $0x80000049;
	[dreg:$0x1] =	wrdreg $0xFFFFFFFF  }
0x1f: {  	s28 =	simm.s32 $_size_execute0_lowered;
	s3 =	sadd.s32 s3, s5;
	[dreg:$0x0] =	wrdreg $0x0  }
0x20: {  	s5 =	sshll.u32 s28, $0x1;
	[dreg:$0x2] =	wrdreg s3  }
0x21: {  	[dreg:$0x3] =	wrdreg s5  }
0x22: {  	[dreg:$0x4] =	wrdreg $0xC0  }
0x23: {  	_ =	task [dreg:s7], $0x5FFFF  }
0x24: {  	[dreg:$0x1] =	wrdreg $0xFFFFFFFF  }
0x25: {  	[dreg:$0x0] =	wrdreg $0x60  }
0x26: {  	[dreg:$0x2] =	wrdreg s25  }
0x27: {  	[dreg:$0x3] =	wrdreg s2  }
0x28: {  	[dreg:$0x4] =	wrdreg $0x9  }
0x29: {  	_ =	task.clear_ibuf [dreg:s7], $0x5FFFF;
	_ =	strace $0x90000049  }
0x2a: {  	s29 =	simm.s32 $0x9;
	_ =	strace $0x8000004B  }
0x2b: {  	_ =	swait.ge [sflag:s29], $0x1  }
0x2c: {  	[sflag:s29] =	ssyncadd.s32 $0xFFFFFFFF  }
0x2d: {  	_ =	strace $0x9000004B  }
0x2e: {  	_ =	sfence  }
0x2f: {  	s30 =	sld [smem:$0x0];
	_ =	sdelay $0x2  }
0x30: {  	s31 =	sshll.u32 s1, $0xD;
	s1 =	sshrl.u32 s1, $0x2  }
0x31: {  	s3 =	sand.u32 $0x4000, s31;
	s1 =	sadd.s32 s1, s30  }
0x32: {  	s0 =	sor.u32 s3, s0;
	s1 =	sshll.u32 s1, $0x11  }
0x33: {  	s0 =	sor.u32 s1, s0  }
0x34: {  	s0 =	sadd.s32 $0x8F2B, s0  }
0x35: {  	[sflag:s0] =	ssyncadd.remote.s32 $0x1  }
0x36: {  	_ =	sfence.sel $0xFFFF  }
0x37: {  	[dreg:$0x0] =	wrdreg $0xFFFFFFFF;
	(pc) =	sbr.abs _section_cstart, $3  }
0x38: {  	[dreg:$0x1] =	wrdreg $0xFFFFFFFF  }
0x39: {  	_ =	task.clear_ibuf [dreg:s7], $0x2FFFF;
	_ =	strace $0x9FFFFFFF  }
0x3a: {  	(tm) =	ssettm $0x7FFFFFFF  }
0x3b: {  	_ =	shalt  }
tec
execute0_lowered:
.L_overlay_start_1:
0x0: {  	(tag) =	ssettag $0x1  }
0x1: {  	s0 =	srdreg.scid  }
0x2: {  	s1 =	sshll.u32 s0, $0x4  }
0x3: {  	s6 =	rddreg [dreg:$0x0];
	s0 =	stileid.u32;
	s1 =	sand.u32 $0x10, s1  }
0x4: {  	s3 =	rddreg [dreg:$0x1];
	s1 =	sor.u32 s0, s1  }
0x5: {  	s5 =	simm.s32 $0x1;
	s31 =	simm.s32 $0x2;
	s2 =	sshll.u32 s1, $0x7  }
0x6: {  	s15 =	simm.s32 $0x0;
	s8 =	simm.s32 $0x20000;
	s4 =	ssub.s32 $0x4000, s2  }
0x7: {  	s14 =	simm.s32 $0x0;
	s9 =	simm.s32 $0x0;
	s30 =	sand.u32 $0xF80, s4  }
0x8: {  	s10 =	simm.s32 $0x0;
	s11 =	simm.s32 $0x0;
	p0 =	sne.s32 s30, $0x0  }
.Ltmp0:
0x9: {  	s7 =	sshrl.u32 s4, $0xC;
	s5 =	simm.s32 @!p0 $0x0;
	(pc) =	sbr.rel .LBB1_1-.Ltmp0, $4  }
0xa: {  	s13 =	simm.s32 $0x0;
	s1 =	rddreg [dreg:$0x2];
	s5 =	sadd.s32 s5, s7  }
0xb: {  	_ =	strace $0x8000004A;
	s4 =	simm.s32 $0x1;
	s5 =	smul.u32 $0x7, s5  }
0xc: {  	s6 =	sadd.s32 $0x1C1000, s6;
	s12 =	smov.u32 s2;
	[sflag:s4] =	ssyncpa.u1 $0x0  }
0xd: {  	[sflag:s31] =	ssyncpa.u1 $0x0;
	p0 =	por $0x0, $0x0;
	s7 =	sadd.s32 $0x1, s5  }
.LBB1_4:
0xe: {  	s20 =	sshra.s32 s20, $0x2  }
0xf: {  	s28 =	sand.u32 $0x78, s10;
	s21 =	sshll.u32 s9, $0xE;
	s22 =	sshll.u32 s10, $0x3  }
0x10: {  	s24 =	sshll.u32 s9, $0x7;
	p1 =	sgt.s32 s9, $0x2D0;
	s30 =	sshra.s32 s9, $0x1F  }
0x11: {  	s26 =	sshra.s32 s10, $0x1F;
	s19 =	sadd.s32 s20, s19;
	s21 =	sand.u32 $0xFFFE0000, s21  }
0x12: {  	v5 =	vld [tilespmem:s17+$0xFFFFFFD0];
	[tilespmem:s18+$0x2040 ss:$0x81] =	vst.msk $0xffff, v4;
	s23 =	sand.u32 $0xFFFFFC00, s22;
	s29 =	sand.u32 $0x380, s24;
	s22 =	sand.u32 $0x3C00, s22  }
0x13: {  	v58 =	vld [tilespmem:s17+$0xFFFFFFE0];
	[tilespmem:s18+$0x2850 ss:$0x81] =	vst.msk $0xffff, v3;
	s21 =	sadd.s32 s23, s21;
	s20 =	sor.u32 s28, s22;
	s22 =	smov.u32 s9  }
0x14: {  	v59 =	vld [tilespmem:s17+$0xFFFFFFF0];
	[tilespmem:s18+$0x3060 ss:$0x81] =	vst.msk $0xffff, v2;
	s24 =	sand.u32 s30, s9;
	s21 =	sshrl.u32 s21, $0xE;
	s22 =	simm.s32 @!p1 $0x2D0  }
0x15: {  	v60 =	vld [tilespmem:s17+$0x0];
	[tilespmem:s18+$0x0 ss:$0x81] =	vst.msk $0xffff, v1;
	p1 =	sgt.s32 s10, $0x3F80;
	s31 =	ssub.s32 s22, s24;
	s22 =	smov.u32 s10  }
0x16: {  	v61 =	vld [tilespmem:s17+$0x10];
	[tilespmem:s19+$0x3870 ss:$0x81] =	vst.msk $0xffff, v0;
	s25 =	smulhi.u32 $0x4D4874, s21;
	s24 =	sand.u32 s26, s10;
	s22 =	simm.s32 @!p1 $0x3F80  }
0x17: {  	v62 =	vld [tilespmem:s17+$0x20];
	s20 =	sor.u32 s29, s20;
	[tilespmem:s19+$0x810 ss:$0x81] =	vst.msk $0xffff, v5;
	s27 =	sadd.s32 $0xFFFFFD30, s31;
	s22 =	ssub.s32 s22, s24  }
0x18: {  	v63 =	vld [tilespmem:s17+$0xFFFFFFC0];
	[tilespmem:s19+$0x1020 ss:$0x81] =	vst.msk $0xffff, v58;
	s18 =	ssub.s32 $0x350, s31;
	s28 =	smul.u32 $0x350, s25;
	s29 =	sadd.s32 $0xFFFFC080, s22  }
0x19: {  	[tilespmem:s19+$0x1830 ss:$0x81] =	vst.msk $0xffff, v59;
	p1 =	sgt.s32 s27, $0x7F;
	s22 =	ssub.s32 $0x4000, s22;
	p2 =	sgt.s32 s29, $0x7F  }
0x1a: {  	s30 =	sand.u32 $0x7, s10;
	[tilespmem:s19+$0x2040 ss:$0x81] =	vst.msk $0xffff, v60;
	s18 =	simm.s32 @p1 $0x0;
	s22 =	simm.s32 @p2 $0x0  }
0x1b: {  	s20 =	sshrl.u32 s20, $0x3;
	[tilespmem:s19+$0x2850 ss:$0x81] =	vst.msk $0xffff, v61;
	s17 =	ssub.s32 s21, s28;
	s18 =	smul.u32 s22, s18  }
0x1c: {  	[tilespmem:s19+$0x3060 ss:$0x81] =	vst.msk $0xffff, v62;
	s20 =	sadd.s32 s3, s20;
	s21 =	sshll.u32 s30, $0x12;
	s17 =	sshll.u32 s17, $0xB  }
0x1d: {  	[tilespmem:s19+$0x0 ss:$0x81] =	vst.msk $0xffff, v63;
	s31 =	sor.u32 $0x400, s21;
	s17 =	sadd.s32 s17, s20;
	s18 =	sand.u32 $0x3FFFFFFF, s18  }
0x1e: {  	[hbm4b:s17+s31] =	stream.strided.scatter [tilespmem:s16], [sflag:$0x2], s18, s8, s31, $0x20;
	[tilespmem:$0x10100] =	vst v63  }
.LBB1_5:
0x1f: {  	p1 =	slt.u32 s13, $0x2  }
0x20: {  	s17 =	smov.u32 s15;
	p2 =	sgt.s32 @!p1 s15, $0x2D0;
	s16 =	sshra.s32 @!p1 s15, $0x1F  }
0x21: {  	p3 =	sgt.s32 @!p1 s14, $0x3F80;
	s18 =	sshra.s32 @!p1 s14, $0x1F;
	p2 =	por !p2, p1  }
0x22: {  	s15 =	sand.u32 @!p1 s16, s15;
	p3 =	por !p3, p1;
	s16 =	smov.u32 s14  }
0x23: {  	s14 =	sand.u32 @!p1 s18, s14;
	s17 =	simm.s32 @p2 $0x2D0;
	s16 =	simm.s32 @p3 $0x3F80  }
0x24: {  	s15 =	ssub.s32 @!p1 s17, s15;
	s14 =	ssub.s32 @!p1 s16, s14  }
0x25: {  	s18 =	smov.u32 s12;
	s16 =	sadd.s32 @!p1 $0xFFFFFD30, s15;
	s17 =	sadd.s32 @!p1 $0xFFFFC080, s14  }
0x26: {  	s15 =	ssub.s32 @!p1 $0x350, s15;
	p2 =	sgt.s32 @!p1 s16, $0x7F;
	p3 =	sgt.s32 @!p1 s17, $0x7F  }
0x27: {  	s14 =	ssub.s32 @!p1 $0x4000, s14;
	p2 =	por !p2, p1;
	p3 =	por !p3, p1  }
0x28: {  	s16 =	sadd.s32 $0x80, s11;
	s15 =	simm.s32 @!p2 $0x0;
	s14 =	simm.s32 @!p3 $0x0  }
0x29: {  	p2 =	sgt.s32 s16, $0x34C;
	s14 =	smul.u32 @!p1 s14, s15;
	s15 =	sadd.s32 $0x1000, s12  }
0x2a: {  	s18 =	smov.u32 @p2 s15  }
0x2b: {  	s16 =	simm.s32 @p2 $0x0;
	p2 =	sgt.s32 s18, $0x3FFF  }
0x2c: {  	s18 =	smov.u32 @p2 s2;
	p2 =	sne.s32 s13, s7  }
.Ltmp1:
0x2d: {  	p0 =	por !p0, !p0;
	s17 =	simm.s32 @!p1 $0x2;
	(pc) =	sbr.rel @!p2 .LBB1_6-.Ltmp1, $4  }
0x2e: {  	s15 =	smov.u32 s9;
	s9 =	smov.u32 s11;
	s14 =	sand.u32 @!p1 $0x3FFFFFFF, s14  }
0x2f: {  	s11 =	smov.u32 s16;
	_ =	swait.ge @!p1 [sflag:s17], s14;
	s19 =	ssub.s32 @!p1 $0x0, s14  }
0x30: {  	s14 =	smov.u32 s10;
	s13 =	sadd.s32 $0x1, s13;
	[sflag:s17] =	ssyncset.done @!p1 $0x0  }
0x31: {  	s10 =	smov.u32 s12;
	s12 =	smov.u32 s18;
	[sflag:s17] =	ssyncadd.s32 @!p1 s19  }
.LBB1_1:
0x32: {  	p1 =	sge.u32 s13, s5  }
0x33: {  	s16 =	sshrl.u32 @!p1 s12, $0x3  }
0x34: {  	s17 =	sshll.u32 @!p1 s11, $0x3;
	s16 =	smul.u32 @!p1 $0x1C00, s16  }
0x35: {  	s18 =	sshll.u32 @!p1 s12, $0x7;
	s17 =	sand.u32 @!p1 $0xFFFFFC00, s17  }
0x36: {  	s16 =	sadd.s32 @!p1 s16, s17;
	s17 =	sand.u32 @!p1 $0x380, s18  }
0x37: {  	s16 =	sor.u32 @!p1 s17, s16  }
0x38: {  	s17 =	sshrl.u32 @!p1 s16, $0x7  }
0x39: {  	s17 =	smulhi.u32 @!p1 $0x24924925, s17;
	_ =	sdelay $0x1  }
0x3a: {  	s18 =	sand.u32 @!p1 $0x7F, s11;
	s19 =	smul.u32 @!p1 $0x380, s17  }
0x3b: {  	s31 =	sadd.s32 $0xFFFFFFFF, s13;
	s16 =	sor.u32 @!p1 s18, s16;
	s18 =	sxor.u32 @!p1 $0xFFFFFFFF, s13  }
0x3c: {  	s18 =	sshll.u32 @!p1 s18, $0xE;
	s17 =	sand.u32 @!p1 $0x3FFF, s17;
	s16 =	ssub.s32 @!p1 s16, s19  }
0x3d: {  	s17 =	smul.u32 @!p1 $0x70, s17;
	s19 =	sshrl.u32 @!p1 s16, $0x3;
	s16 =	sand.u32 @!p1 $0x7, s16  }
0x3e: {  	s18 =	sand.u32 @!p1 $0x4000, s18;
	s19 =	sadd.s32 @!p1 s6, s19;
	s16 =	sshll.u32 @!p1 s16, $0x12  }
0x3f: {  	s17 =	sadd.s32 @!p1 s17, s19;
	s16 =	sor.u32 @!p1 $0x400, s16;
	s19 =	simm.s32 @!p1 $0x1C00  }
0x40: {  	[tilespmem:s18], [sflag:$0x1] =	stream.strided.gather @!p1 [hbm4b:s17+s16], $0x4000, s19, s16, $0x38;
	[tilespmem:$0x10100] =	vst v63  }
0x41: {  	p1 =	sge.u32 s31, s5  }
.Ltmp2:
0x42: {  	_ = 	snop;
	(pc) =	sbr.rel @p1 .LBB1_5-.Ltmp2, $1  }
0x43: {  	_ =	sdelay $0x3  }
0x44: {  	s16 =	simm.s32 $0x1  }
0x45: {  	_ =	swait.ge [sflag:s4], $0x4000;
	s16 =	simm.s32 @!p0 $0x0  }
0x46: {  	[sflag:s4] =	ssyncset.done $0x0;
	s17 =	sshll.u32 s16, $0xE  }
0x47: {  	[sflag:s4] =	ssyncadd.s32 $0xFFFFC000;
	s17 =	sor.u32 $0x40, s17  }
0x48: {  	s16 =	smul.u32 $0x10200, s16;
	v0 =	vld [tilespmem:s17+$0x30]  }
0x49: {  	v1 =	vld [tilespmem:s17+$0xFFFFFFD0]  }
0x4a: {  	s16 =	sshrl.u32 s16, $0x2;
	v5 =	vld [tilespmem:s17+$0xFFFFFFE0]  }
0x4b: {  	v6 =	vld [tilespmem:s17+$0xFFFFFFF0];
	s19 =	sor.u32 $0x8000, s16  }
0x4c: {  	s31 =	sand.u32 $0x1, s13;
	v4 =	vld [tilespmem:s17+$0x0];
	s18 =	sadd.s32 $0x0, s19  }
0x4d: {  	v3 =	vld [tilespmem:s17+$0x10];
	s16 =	smul.u32 $0x10200, s31;
	[tilespmem:s18+$0x3870 ss:$0x81] =	vst.msk $0xffff, v0  }
0x4e: {  	v2 =	vld [tilespmem:s17+$0x20];
	[tilespmem:s18+$0x810 ss:$0x81] =	vst.msk $0xffff, v1  }
0x4f: {  	s16 =	sshrl.u32 s16, $0x2;
	v1 =	vld [tilespmem:s17+$0xFFFFFFC0];
	[tilespmem:s18+$0x1020 ss:$0x81] =	vst.msk $0xffff, v5;
	s17 =	sadd.s32 $0x80, s17  }
0x50: {  	s20 =	simm.s32 $0x4;
	s21 =	simm.s32 $0x8;
	s16 =	sor.u32 $0x8000, s16;
	[tilespmem:s18+$0x1830 ss:$0x81] =	vst.msk $0xffff, v6;
	v0 =	vld [tilespmem:s17+$0x30]  }
.LBB1_3:
0x51: {  	p1 =	sne.s32 s21, $0x1FC;
	v5 =	vld [tilespmem:s17+$0xFFFFFFD0];
	[tilespmem:s18+$0x2040 ss:$0x81] =	vst.msk $0xffff, v4  }
0x52: {  	v6 =	vld [tilespmem:s17+$0xFFFFFFE0];
	[tilespmem:s18+$0x2850 ss:$0x81] =	vst.msk $0xffff, v3  }
0x53: {  	s22 =	sshra.s32 s20, $0x2;
	s20 =	smov.u32 s21;
	v7 =	vld [tilespmem:s17+$0xFFFFFFF0];
	[tilespmem:s18+$0x3060 ss:$0x81] =	vst.msk $0xffff, v2  }
.Ltmp3:
0x54: {  	v4 =	vld [tilespmem:s17+$0x0];
	[tilespmem:s18+$0x0 ss:$0x81] =	vst.msk $0xffff, v1;
	s18 =	sadd.s32 s22, s19;
	(pc) =	sbr.rel @p1 .LBB1_3-.Ltmp3, $4  }
0x55: {  	v3 =	vld [tilespmem:s17+$0x10];
	[tilespmem:s18+$0x3870 ss:$0x81] =	vst.msk $0xffff, v0  }
0x56: {  	[tilespmem:s18+$0x810 ss:$0x81] =	vst.msk $0xffff, v5;
	v2 =	vld [tilespmem:s17+$0x20]  }
0x57: {  	v1 =	vld [tilespmem:s17+$0xFFFFFFC0];
	[tilespmem:s18+$0x1020 ss:$0x81] =	vst.msk $0xffff, v6;
	s17 =	sadd.s32 $0x80, s17  }
0x58: {  	s21 =	sadd.s32 $0x4, s21;
	v0 =	vld [tilespmem:s17+$0x30];
	[tilespmem:s18+$0x1830 ss:$0x81] =	vst.msk $0xffff, v7  }
.Ltmp4:
0x59: {  	_ = 	snop;
	(pc) =	sbr.rel .LBB1_4-.Ltmp4, $1  }
0x5a: {  	_ =	sdelay $0x3  }
.LBB1_6:
0x5b: {  	_ =	sfence.sel $0x180000  }
0x5c: {  	s2 =	simm.s32 $0x1;
	[bflag:$0x0] =	sbarrier.arrive $0xFFFF  }
0x5d: {  	s31 =	simm.s32 $0x2;
	[sflag:s2] =	ssyncpa.u1 $0x1  }
0x5e: {  	[sflag:s31] =	ssyncpa.u1 $0x1  }
0x5f: {  	p0 =	sne.s32 s0, $0x0;
	_ =	strace $0x9000004A  }
0x60: {  	s0 =	sadd.s32 @!p0 $0x100000, s1;
	[bflag:$0x2] =	sbarrier.arrive $0xFFFF  }
0x61: {  	[sflag:s0] =	ssyncadd.tile.s32 @!p0 $0x1;
	_ =	shalt  }
.Lfunc_end1:
_tile_overlayer_lowered:
.L_overlay_start_2:
0x62: {  	(tag) =	ssettag $0x2  }
0x63: {  	s0 =	rddreg [dreg:$0x0];
	s2 =	stileid.u32  }
0x64: {  	s1 =	rddreg [dreg:$0x1];
	p0 =	sne.s32 s2, $0x0  }
0x65: {  	s3 =	rddreg [dreg:$0x2];
	[bflag:$0x3] =	sbarrier.arrive $0xFFFF;
	s2 =	simm.s32 @!p0 $0x1C01  }
0x66: {  	[timem:s3], [sflag:s2] =	dma.local @!p0 [hbm:s0], s1  }
0x67: {  	s0 =	simm.s32 @!p0 $0x1  }
0x68: {  	_ =	swait.ge @!p0 [sflag:s0], s1  }
0x69: {  	s1 =	ssub.s32 @!p0 $0x0, s1;
	[sflag:s0] =	ssyncset.done @!p0 $0x0  }
0x6a: {  	[sflag:s0] =	ssyncadd.s32 @!p0 s1  }
0x6b: {  	[bflag:$0x3] =	sbarrier.arrive $0xFFFF  }
0x6c: {  	_ =	shalt  }

</sc_bundles>
